<compile_context>
chip_gen: v7x
topology: tpu7x:2x2x1
jax: 0.10.2.dev20260603
libtpu: 0.0.44.dev20260713+nightly
codegen_flags: <defaults>
</compile_context>

<pallas_src>
import functools

import jax
import jax.numpy as jnp
from jax import lax
from jax.experimental import pallas as pl
from jax.experimental.pallas import tpu as pltpu
from jax.experimental.pallas import tpu_sc as plsc

B = 1000
NPG = 100
N = B * NPG
D = 128
H = 128

G = 40
BP = 1024


def _sc_gather(fi_hbm, fv_hbm, idx_hbm, oi_hbm, ov_hbm,
               idx_v, rows_i, rows_v, sem_i, sem_v):
    nc = plsc.get_sparse_core_info().num_cores
    wid = lax.axis_index("s") * nc + lax.axis_index("c")
    bpw = BP // (nc * plsc.get_sparse_core_info().num_subcores)
    base = wid * bpw
    pltpu.sync_copy(idx_hbm.at[pl.ds(base, bpw)], idx_v)
    ci = pltpu.async_copy(fi_hbm.at[idx_v], rows_i, sem_i)
    cv = pltpu.async_copy(fv_hbm.at[idx_v], rows_v, sem_v)
    ci.wait()
    cv.wait()
    pltpu.sync_copy(rows_i, oi_hbm.at[pl.ds(base, bpw)])
    pltpu.sync_copy(rows_v, ov_hbm.at[pl.ds(base, bpw)])


def _gather_last_rows(feat_invar, feat_var, idx_pad):
    info = plsc.get_sparse_core_info()
    bpw = BP // (info.num_cores * info.num_subcores)
    mesh = plsc.VectorSubcoreMesh(core_axis_name="c", subcore_axis_name="s")
    k = functools.partial(
        pl.kernel, mesh=mesh,
        out_type=[jax.ShapeDtypeStruct((BP, D), jnp.float32),
                  jax.ShapeDtypeStruct((BP, D), jnp.float32)],
        scratch_types=[
            pltpu.VMEM((bpw,), jnp.int32),
            pltpu.VMEM((bpw, D), jnp.float32),
            pltpu.VMEM((bpw, D), jnp.float32),
            pltpu.SemaphoreType.DMA,
            pltpu.SemaphoreType.DMA,
        ],
    )(_sc_gather)
    return k(feat_invar, feat_var, idx_pad)


_LOG2E = 1.4426950408889634


def _attn_body(fia_ref, fib_ref, fva_ref, fvb_ref, gvi_ref, gvv_ref,
               wu_ref, bu_ref, wv_ref, we_ref, slog_ref, sbf_ref,
               oi_ref, ov_ref):
    f32 = jnp.float32
    bf = jnp.bfloat16
    dn = (((0,), (0,)), ((), ()))
    Xi_b = jnp.concatenate([fia_ref[...], fib_ref[...]], axis=0).astype(bf)
    Xv_b = jnp.concatenate([fva_ref[...], fvb_ref[...]], axis=0).astype(bf)
    Wu_b = (wu_ref[...] * 0.5).astype(bf)
    bu = bu_ref[...] * 0.5
    Ui = jnp.dot(Xi_b, Wu_b, preferred_element_type=f32)
    Uv = jnp.dot(Xv_b, Wu_b, preferred_element_type=f32)
    Wv_b = (wv_ref[...] * 0.5).astype(bf)
    Vi = jnp.dot(gvi_ref[...].astype(bf), Wv_b,
                 preferred_element_type=f32) + bu
    Vv = jnp.dot(gvv_ref[...].astype(bf), Wv_b,
                 preferred_element_type=f32) + bu
    S_b = sbf_ref[...]
    Vbi = jnp.dot(S_b, Vi.astype(bf), preferred_element_type=f32)
    Vbv = jnp.dot(S_b, Vv.astype(bf), preferred_element_type=f32)
    We_s = we_ref[...] * (0.5 * _LOG2E)
    lane = lax.broadcasted_iota(jnp.int32, (1, 2 * G), 1)
    onesL = (lane < G).astype(f32)
    onesR = 1.0 - onesL
    WeLR = jnp.concatenate([jnp.dot(We_s, onesL), jnp.dot(We_s, onesR)],
                           axis=0).astype(bf)
    T_i = jnp.dot(
        jnp.concatenate([jnp.tanh(Ui + Vbi).astype(bf),
                         jnp.tanh(Ui + Vbv).astype(bf)], axis=1),
        WeLR, preferred_element_type=f32)
    T_v = jnp.dot(
        jnp.concatenate([jnp.tanh(Uv + Vbi).astype(bf),
                         jnp.tanh(Uv + Vbv).astype(bf)], axis=1),
        WeLR, preferred_element_type=f32)
    slog = slog_ref[...]
    A_i_b = jnp.exp2(T_i + slog).astype(bf)
    A_v_b = jnp.exp2(T_v + slog).astype(bf)
    Rp = (lax.dot_general(A_i_b, Xi_b, dn, preferred_element_type=f32) +
          lax.dot_general(A_v_b, Xv_b, dn, preferred_element_type=f32))
    ones_b = jnp.ones((G * NPG, 1), bf)
    sp = (lax.dot_general(A_i_b, ones_b, dn, preferred_element_type=f32) +
          lax.dot_general(A_v_b, ones_b, dn, preferred_element_type=f32))
    oi_ref[0] = Rp[:G] / sp[:G]
    ov_ref[0] = Rp[G:] / sp[G:]


def _attn_readout(fi, fv, gi, gv, Wu, bu2, Wv, We, SLOG, SBF):
    R = G * NPG
    return pl.pallas_call(
        _attn_body,
        grid=(B // G,),
        in_specs=[
            pl.BlockSpec((R // 2, D), lambda i: (2 * i, 0)),
            pl.BlockSpec((R // 2, D), lambda i: (2 * i + 1, 0)),
            pl.BlockSpec((R // 2, D), lambda i: (2 * i, 0)),
            pl.BlockSpec((R // 2, D), lambda i: (2 * i + 1, 0)),
            pl.BlockSpec((G, D), lambda i: (i, 0)),
            pl.BlockSpec((G, D), lambda i: (i, 0)),
            pl.BlockSpec((D, H), lambda i: (0, 0)),
            pl.BlockSpec((1, H), lambda i: (0, 0)),
            pl.BlockSpec((D, H), lambda i: (0, 0)),
            pl.BlockSpec((H, 1), lambda i: (0, 0)),
            pl.BlockSpec((R, 2 * G), lambda i: (0, 0)),
            pl.BlockSpec((R, G), lambda i: (0, 0)),
        ],
        out_specs=[pl.BlockSpec((1, G, D), lambda i: (i, 0, 0)),
                   pl.BlockSpec((1, G, D), lambda i: (i, 0, 0))],
        out_shape=[jax.ShapeDtypeStruct((B // G, G, D), jnp.float32),
                   jax.ShapeDtypeStruct((B // G, G, D), jnp.float32)],
    )(fi, fi, fv, fv, gi, gv, Wu, bu2, Wv, We, SLOG, SBF)


def kernel(feat_invar, feat_var, last_nodes, Wu, bu, Wv, We):
    idx = last_nodes.astype(jnp.int32)
    idx_pad = jnp.concatenate([idx, jnp.zeros((BP - B,), jnp.int32)])
    gi, gv = _gather_last_rows(feat_invar, feat_var, idx_pad)
    bu2 = bu.reshape(1, H)
    S = jnp.repeat(jnp.eye(G, dtype=jnp.float32), NPG, axis=0)
    SLOG = (jnp.concatenate([S, S], axis=1) - 1.0) * 100.0
    SBF = S.astype(jnp.bfloat16)
    ri, rv = _attn_readout(feat_invar, feat_var, gi, gv,
                           Wu, bu2, Wv, We, SLOG, SBF)
    return (ri.reshape(B, D)[:, None, :], rv.reshape(B, D)[:, None, :])

# --- scband reference (transcript-rebuilt; emitter-appended) ---
"""Pipeline reference for scband-attn-readout-26096221290897 (READ-ONLY COPY).

The authoritative reference and input builder live on the scoring server;
editing this copy changes nothing except your own understanding.
"""

import jax, jax.numpy as jnp
import numpy as np

B = 1000      # number of graphs in batch
NPG = 100     # nodes per graph (equal segments)
N = B * NPG   # 100000 total nodes
D = 128       # input_dim = output_dim
H = 128       # hidden_dim


def _segment_softmax(e, seg, num_segments):
    m = jax.ops.segment_max(e, seg, num_segments=num_segments)
    ex = jnp.exp(e - m[seg])
    s = jax.ops.segment_sum(ex, seg, num_segments=num_segments)
    return ex / s[seg]


def setup_inputs(seed: int = 0) -> dict:
    key = jax.random.key(seed)
    k1, k2, k3, k4, k5, k6, k7 = jax.random.split(key, 7)
    feat_invar = jax.random.normal(k1, (N, D), dtype=jnp.float32)
    feat_var = jax.random.normal(k2, (N, D), dtype=jnp.float32)
    last_nodes = jax.random.randint(k3, (B,), 0, N, dtype=jnp.int64)
    Wu = jax.random.normal(k4, (D, H), dtype=jnp.float32) * 0.05
    bu = jnp.zeros((H,), dtype=jnp.float32)
    Wv = jax.random.normal(k5, (D, H), dtype=jnp.float32) * 0.05
    We = jax.random.normal(k6, (H, 1), dtype=jnp.float32) * 0.05
    return {"feat_invar": feat_invar, "feat_var": feat_var, "last_nodes": last_nodes,
            "Wu": Wu, "bu": bu, "Wv": Wv, "We": We}


def reference(feat_invar, feat_var, last_nodes, Wu, bu, Wv, We):
    # order=1, granularity_type='hybrid', fc_out=None (output_dim==input_dim), activation=None
    # feat_vs: gather last node of each graph
    fv_invar = feat_invar[last_nodes]            # [B, D]
    fv_var = feat_var[last_nodes]                # [B, D]
    # hybrid feats: per graph, concat(invar nodes, var nodes)
    feats = jnp.concatenate([
        feat_invar.reshape(B, NPG, D),
        feat_var.reshape(B, NPG, D),
    ], axis=1).reshape(B * 2 * NPG, D)           # [2N, D]
    seg = jnp.repeat(jnp.arange(B), 2 * NPG)     # segment ids, length 2N
    # attention logits
    feat_u = feats @ Wu + bu                     # [2N, H]
    feat_v_invar = (fv_invar @ Wv)[seg]          # [2N, H]
    feat_v_var = (fv_var @ Wv)[seg]
    e_invar = jax.nn.sigmoid(feat_u + feat_v_invar) @ We   # [2N, 1]
    e_var = jax.nn.sigmoid(feat_u + feat_v_var) @ We
    alpha_invar = _segment_softmax(e_invar, seg, B)
    alpha_var = _segment_softmax(e_var, seg, B)
    rst_invar = jax.ops.segment_sum(feats * alpha_invar, seg, num_segments=B)  # [B, D]
    rst_var = jax.ops.segment_sum(feats * alpha_var, seg, num_segments=B)
    return rst_invar[:, None, :], rst_var[:, None, :]

if __name__ == "__main__":
    import jax
    _d = setup_inputs()
    print(jax.jit(kernel)(*tuple(_d.values())))

</pallas_src>

<mosaic_0001>
#map = affine_map<(d0, d1) -> (0, 0)>
#map1 = affine_map<(d0, d1) -> (0)>
module attributes {stable_mosaic.version = 14 : i64} {
  func.func @_sc_gather(%arg0: i32, %arg1: i32, %arg2: memref<100000x128xf32, #tpu.memory_space<hbm>>, %arg3: memref<100000x128xf32, #tpu.memory_space<hbm>>, %arg4: memref<1024xi32, #tpu.memory_space<hbm>>, %arg5: memref<1024x128xf32, #tpu.memory_space<hbm>>, %arg6: memref<1024x128xf32, #tpu.memory_space<hbm>>, %arg7: memref<32xi32, #tpu.memory_space<vmem>>, %arg8: memref<32x128xf32, #tpu.memory_space<vmem>>, %arg9: memref<32x128xf32, #tpu.memory_space<vmem>>, %arg10: memref<!tpu.dma_semaphore, #tpu.memory_space<semaphore_mem>>, %arg11: memref<!tpu.dma_semaphore, #tpu.memory_space<semaphore_mem>>) attributes {dimension_semantics = [#tpu.dimension_semantics<core_parallel>, #tpu.dimension_semantics<subcore_parallel>], iteration_bounds = array<i64: 2, 16>, scalar_prefetch = 0 : i64, scratch_operands = 5 : i64, tpu.core_type = #tpu.core_type<sc_vector_subcore>, window_params = [{transform_indices = #map}, {transform_indices = #map}, {transform_indices = #map1}, {transform_indices = #map}, {transform_indices = #map}]} {
    %mul3A = arith.constant 2 : i32
    %mul3A_0 = arith.muli %arg1, %mul3A : i32
    %add3A = arith.addi %mul3A_0, %arg0 : i32
    %mul3A_1 = arith.constant 32 : i32
    %mul3A_2 = arith.muli %add3A, %mul3A_1 : i32
    "tpu.region"() ({
      %run_scoped3A = tpu.sem_alloc : memref<!tpu.dma_semaphore, #tpu.memory_space<semaphore_mem>>
      %dma_start3A_13 = tpu.memref_slice %arg4[%mul3A_2] : memref<1024xi32, #tpu.memory_space<hbm>> -> memref<32xi32, #tpu.memory_space<hbm>>
      %dma_start3A_14 = tpu.memref_slice %arg4[%mul3A_2] : memref<1024xi32, #tpu.memory_space<hbm>> -> memref<32xi32, #tpu.memory_space<hbm>>
      tpu.enqueue_dma source(%dma_start3A_14 : memref<32xi32, #tpu.memory_space<hbm>>) target(%arg7 : memref<32xi32, #tpu.memory_space<vmem>>) target_semaphore(%run_scoped3A : memref<!tpu.dma_semaphore, #tpu.memory_space<semaphore_mem>>)
      %dma_wait3A_15 = tpu.memref_slice %arg4[%mul3A_2] : memref<1024xi32, #tpu.memory_space<hbm>> -> memref<32xi32, #tpu.memory_space<hbm>>
      %dma_wait3A_16 = tpu.memref_slice %arg4[%mul3A_2] : memref<1024xi32, #tpu.memory_space<hbm>> -> memref<32xi32, #tpu.memory_space<hbm>>
      tpu.wait_dma2 semaphore(%run_scoped3A : memref<!tpu.dma_semaphore, #tpu.memory_space<semaphore_mem>>) src(%dma_wait3A_16 : memref<32xi32, #tpu.memory_space<hbm>>) dst(%arg7 : memref<32xi32, #tpu.memory_space<vmem>>)
      tpu.yield
    }) : () -> ()
    %dma_start3A = arith.constant 0 : i32
    %dma_start3A_3 = arith.constant 0 : i32
    %dma_start3A_4 = tpu.memref_slice %arg2[%dma_start3A, %dma_start3A_3] : memref<100000x128xf32, #tpu.memory_space<hbm>> -> memref<100000x128xf32, #tpu.memory_space<hbm>>
    tpu.enqueue_indirect_dma source(%dma_start3A_4 : memref<100000x128xf32, #tpu.memory_space<hbm>>) target(%arg8 : memref<32x128xf32, #tpu.memory_space<vmem>>) offsets(%arg7 : memref<32xi32, #tpu.memory_space<vmem>>) semaphore(%arg10 : memref<!tpu.dma_semaphore, #tpu.memory_space<semaphore_mem>>)
    %dma_start3A_5 = arith.constant 0 : i32
    %dma_start3A_6 = arith.constant 0 : i32
    %dma_start3A_7 = tpu.memref_slice %arg3[%dma_start3A_5, %dma_start3A_6] : memref<100000x128xf32, #tpu.memory_space<hbm>> -> memref<100000x128xf32, #tpu.memory_space<hbm>>
    tpu.enqueue_indirect_dma source(%dma_start3A_7 : memref<100000x128xf32, #tpu.memory_space<hbm>>) target(%arg9 : memref<32x128xf32, #tpu.memory_space<vmem>>) offsets(%arg7 : memref<32xi32, #tpu.memory_space<vmem>>) semaphore(%arg11 : memref<!tpu.dma_semaphore, #tpu.memory_space<semaphore_mem>>)
    %dma_wait3A = arith.constant 0 : i32
    %dma_wait3A_8 = arith.constant 0 : i32
    %dma_wait3A_9 = tpu.memref_slice %arg2[%dma_wait3A, %dma_wait3A_8] : memref<100000x128xf32, #tpu.memory_space<hbm>> -> memref<100000x128xf32, #tpu.memory_space<hbm>>
    tpu.wait_indirect_dma semaphore(%arg10 : memref<!tpu.dma_semaphore, #tpu.memory_space<semaphore_mem>>) src(%dma_wait3A_9 : memref<100000x128xf32, #tpu.memory_space<hbm>>) dst(%arg8 : memref<32x128xf32, #tpu.memory_space<vmem>>)
    %dma_wait3A_10 = arith.constant 0 : i32
    %dma_wait3A_11 = arith.constant 0 : i32
    %dma_wait3A_12 = tpu.memref_slice %arg3[%dma_wait3A_10, %dma_wait3A_11] : memref<100000x128xf32, #tpu.memory_space<hbm>> -> memref<100000x128xf32, #tpu.memory_space<hbm>>
    tpu.wait_indirect_dma semaphore(%arg11 : memref<!tpu.dma_semaphore, #tpu.memory_space<semaphore_mem>>) src(%dma_wait3A_12 : memref<100000x128xf32, #tpu.memory_space<hbm>>) dst(%arg9 : memref<32x128xf32, #tpu.memory_space<vmem>>)
    "tpu.region"() ({
      %run_scoped3A = tpu.sem_alloc : memref<!tpu.dma_semaphore, #tpu.memory_space<semaphore_mem>>
      %dma_start3A_13 = arith.constant 0 : i32
      %dma_start3A_14 = tpu.memref_slice %arg5[%mul3A_2, %dma_start3A_13] : memref<1024x128xf32, #tpu.memory_space<hbm>> -> memref<32x128xf32, #tpu.memory_space<hbm>>
      %dma_start3A_15 = arith.constant 0 : i32
      %dma_start3A_16 = tpu.memref_slice %arg5[%mul3A_2, %dma_start3A_15] : memref<1024x128xf32, #tpu.memory_space<hbm>> -> memref<32x128xf32, #tpu.memory_space<hbm>>
      tpu.enqueue_dma source(%arg8 : memref<32x128xf32, #tpu.memory_space<vmem>>) target(%dma_start3A_16 : memref<32x128xf32, #tpu.memory_space<hbm>>) target_semaphore(%run_scoped3A : memref<!tpu.dma_semaphore, #tpu.memory_space<semaphore_mem>>)
      %dma_wait3A_17 = arith.constant 0 : i32
      %dma_wait3A_18 = tpu.memref_slice %arg5[%mul3A_2, %dma_wait3A_17] : memref<1024x128xf32, #tpu.memory_space<hbm>> -> memref<32x128xf32, #tpu.memory_space<hbm>>
      %dma_wait3A_19 = arith.constant 0 : i32
      %dma_wait3A_20 = tpu.memref_slice %arg5[%mul3A_2, %dma_wait3A_19] : memref<1024x128xf32, #tpu.memory_space<hbm>> -> memref<32x128xf32, #tpu.memory_space<hbm>>
      tpu.wait_dma2 semaphore(%run_scoped3A : memref<!tpu.dma_semaphore, #tpu.memory_space<semaphore_mem>>) src(%arg8 : memref<32x128xf32, #tpu.memory_space<vmem>>) dst(%dma_wait3A_20 : memref<32x128xf32, #tpu.memory_space<hbm>>)
      tpu.yield
    }) : () -> ()
    "tpu.region"() ({
      %run_scoped3A = tpu.sem_alloc : memref<!tpu.dma_semaphore, #tpu.memory_space<semaphore_mem>>
      %dma_start3A_13 = arith.constant 0 : i32
      %dma_start3A_14 = tpu.memref_slice %arg6[%mul3A_2, %dma_start3A_13] : memref<1024x128xf32, #tpu.memory_space<hbm>> -> memref<32x128xf32, #tpu.memory_space<hbm>>
      %dma_start3A_15 = arith.constant 0 : i32
      %dma_start3A_16 = tpu.memref_slice %arg6[%mul3A_2, %dma_start3A_15] : memref<1024x128xf32, #tpu.memory_space<hbm>> -> memref<32x128xf32, #tpu.memory_space<hbm>>
      tpu.enqueue_dma source(%arg9 : memref<32x128xf32, #tpu.memory_space<vmem>>) target(%dma_start3A_16 : memref<32x128xf32, #tpu.memory_space<hbm>>) target_semaphore(%run_scoped3A : memref<!tpu.dma_semaphore, #tpu.memory_space<semaphore_mem>>)
      %dma_wait3A_17 = arith.constant 0 : i32
      %dma_wait3A_18 = tpu.memref_slice %arg6[%mul3A_2, %dma_wait3A_17] : memref<1024x128xf32, #tpu.memory_space<hbm>> -> memref<32x128xf32, #tpu.memory_space<hbm>>
      %dma_wait3A_19 = arith.constant 0 : i32
      %dma_wait3A_20 = tpu.memref_slice %arg6[%mul3A_2, %dma_wait3A_19] : memref<1024x128xf32, #tpu.memory_space<hbm>> -> memref<32x128xf32, #tpu.memory_space<hbm>>
      tpu.wait_dma2 semaphore(%run_scoped3A : memref<!tpu.dma_semaphore, #tpu.memory_space<semaphore_mem>>) src(%arg9 : memref<32x128xf32, #tpu.memory_space<vmem>>) dst(%dma_wait3A_20 : memref<32x128xf32, #tpu.memory_space<hbm>>)
      tpu.yield
    }) : () -> ()
    return
  }
}

module attributes {stable_mosaic.version = 14 : i64} {
  func.func @_attn_body(%arg0: i32, %arg1: memref<2000x128xf32, #tpu.memory_space<vmem>>, %arg2: memref<2000x128xf32, #tpu.memory_space<vmem>>, %arg3: memref<2000x128xf32, #tpu.memory_space<vmem>>, %arg4: memref<2000x128xf32, #tpu.memory_space<vmem>>, %arg5: memref<40x128xf32, #tpu.memory_space<vmem>>, %arg6: memref<40x128xf32, #tpu.memory_space<vmem>>, %arg7: memref<128x128xf32, #tpu.memory_space<vmem>>, %arg8: memref<1x128xf32, #tpu.memory_space<vmem>>, %arg9: memref<128x128xf32, #tpu.memory_space<vmem>>, %arg10: memref<128x1xf32, #tpu.memory_space<vmem>>, %arg11: memref<4000x80xf32, #tpu.memory_space<vmem>>, %arg12: memref<4000x40xbf16, #tpu.memory_space<vmem>>, %arg13: memref<1x40x128xf32, #tpu.memory_space<vmem>>, %arg14: memref<1x40x128xf32, #tpu.memory_space<vmem>>) attributes {dimension_semantics = [#tpu.dimension_semantics<arbitrary>], iteration_bounds = array<i64: 25>, scalar_prefetch = 0 : i64, scratch_operands = 0 : i64, tpu.core_type = #tpu.core_type<tc>, window_params = [{transform_indices = @transform_0, window_bounds = array<i64: 2000, 128>}, {transform_indices = @transform_1, window_bounds = array<i64: 2000, 128>}, {transform_indices = @transform_2, window_bounds = array<i64: 2000, 128>}, {transform_indices = @transform_3, window_bounds = array<i64: 2000, 128>}, {transform_indices = @transform_4, window_bounds = array<i64: 40, 128>}, {transform_indices = @transform_5, window_bounds = array<i64: 40, 128>}, {pipeline_mode = #tpu.pipeline_mode<synchronous>, transform_indices = @transform_6, window_bounds = array<i64: 128, 128>}, {pipeline_mode = #tpu.pipeline_mode<synchronous>, transform_indices = @transform_7, window_bounds = array<i64: 1, 128>}, {pipeline_mode = #tpu.pipeline_mode<synchronous>, transform_indices = @transform_8, window_bounds = array<i64: 128, 128>}, {pipeline_mode = #tpu.pipeline_mode<synchronous>, transform_indices = @transform_9, window_bounds = array<i64: 128, 1>}, {pipeline_mode = #tpu.pipeline_mode<synchronous>, transform_indices = @transform_10, window_bounds = array<i64: 4000, 80>}, {pipeline_mode = #tpu.pipeline_mode<synchronous>, transform_indices = @transform_11, window_bounds = array<i64: 4000, 40>}, {transform_indices = @transform_12, window_bounds = array<i64: 1, 40, 128>}, {transform_indices = @transform_13, window_bounds = array<i64: 1, 40, 128>}]} {
    %get3A = arith.constant 0 : index
    %get3A_0 = arith.constant 0 : index
    %get3A_1 = vector.load %arg1[%get3A, %get3A_0] : memref<2000x128xf32, #tpu.memory_space<vmem>>, vector<2000x128xf32>
    %get3A_2 = arith.constant 0 : index
    %get3A_3 = arith.constant 0 : index
    %get3A_4 = vector.load %arg2[%get3A_2, %get3A_3] : memref<2000x128xf32, #tpu.memory_space<vmem>>, vector<2000x128xf32>
    %concatenate3A = tpu.concatenate %get3A_1, %get3A_4 in 0 : vector<2000x128xf32>, vector<2000x128xf32> -> vector<4000x128xf32>
    %convert_element_type3A = arith.truncf %concatenate3A : vector<4000x128xf32> to vector<4000x128xbf16>
    %get3A_5 = arith.constant 0 : index
    %get3A_6 = arith.constant 0 : index
    %get3A_7 = vector.load %arg3[%get3A_5, %get3A_6] : memref<2000x128xf32, #tpu.memory_space<vmem>>, vector<2000x128xf32>
    %get3A_8 = arith.constant 0 : index
    %get3A_9 = arith.constant 0 : index
    %get3A_10 = vector.load %arg4[%get3A_8, %get3A_9] : memref<2000x128xf32, #tpu.memory_space<vmem>>, vector<2000x128xf32>
    %concatenate3A_11 = tpu.concatenate %get3A_7, %get3A_10 in 0 : vector<2000x128xf32>, vector<2000x128xf32> -> vector<4000x128xf32>
    %convert_element_type3A_12 = arith.truncf %concatenate3A_11 : vector<4000x128xf32> to vector<4000x128xbf16>
    %get3A_13 = arith.constant 0 : index
    %get3A_14 = arith.constant 0 : index
    %get3A_15 = vector.load %arg7[%get3A_13, %get3A_14] : memref<128x128xf32, #tpu.memory_space<vmem>>, vector<128x128xf32>
    %mul3A = arith.constant 5.000000e-01 : f32
    %mul3A_16 = vector.broadcast %mul3A : f32 to vector<128x128xf32>
    %mul3A_17 = arith.mulf %get3A_15, %mul3A_16 : vector<128x128xf32>
    %convert_element_type3A_18 = arith.truncf %mul3A_17 : vector<128x128xf32> to vector<128x128xbf16>
    %get3A_19 = arith.constant 0 : index
    %get3A_20 = arith.constant 0 : index
    %get3A_21 = vector.load %arg8[%get3A_19, %get3A_20] : memref<1x128xf32, #tpu.memory_space<vmem>>, vector<1x128xf32>
    %mul3A_22 = arith.constant 5.000000e-01 : f32
    %mul3A_23 = vector.broadcast %mul3A_22 : f32 to vector<1x128xf32>
    %mul3A_24 = arith.mulf %get3A_21, %mul3A_23 : vector<1x128xf32>
    %dot_general3A = arith.constant dense<0.000000e+00> : vector<4000x128xf32>
    %dot_general3A_25 = tpu.matmul %convert_element_type3A, %convert_element_type3A_18, %dot_general3A {dimension_numbers = #tpu.dot_dimension_numbers<[1], [0], [0], [1], [0, 0, 1, 1], [], []>, transpose_lhs_hint = false} : vector<4000x128xbf16>, vector<128x128xbf16>, vector<4000x128xf32> -> vector<4000x128xf32>
    %dot_general3A_26 = arith.constant dense<0.000000e+00> : vector<4000x128xf32>
    %dot_general3A_27 = tpu.matmul %convert_element_type3A_12, %convert_element_type3A_18, %dot_general3A_26 {dimension_numbers = #tpu.dot_dimension_numbers<[1], [0], [0], [1], [0, 0, 1, 1], [], []>, transpose_lhs_hint = false} : vector<4000x128xbf16>, vector<128x128xbf16>, vector<4000x128xf32> -> vector<4000x128xf32>
    %get3A_28 = arith.constant 0 : index
    %get3A_29 = arith.constant 0 : index
    %get3A_30 = vector.load %arg9[%get3A_28, %get3A_29] : memref<128x128xf32, #tpu.memory_space<vmem>>, vector<128x128xf32>
    %mul3A_31 = arith.constant 5.000000e-01 : f32
    %mul3A_32 = vector.broadcast %mul3A_31 : f32 to vector<128x128xf32>
    %mul3A_33 = arith.mulf %get3A_30, %mul3A_32 : vector<128x128xf32>
    %convert_element_type3A_34 = arith.truncf %mul3A_33 : vector<128x128xf32> to vector<128x128xbf16>
    %get3A_35 = arith.constant 0 : index
    %get3A_36 = arith.constant 0 : index
    %get3A_37 = vector.load %arg5[%get3A_35, %get3A_36] : memref<40x128xf32, #tpu.memory_space<vmem>>, vector<40x128xf32>
    %convert_element_type3A_38 = arith.truncf %get3A_37 : vector<40x128xf32> to vector<40x128xbf16>
    %dot_general3A_39 = arith.constant dense<0.000000e+00> : vector<40x128xf32>
    %dot_general3A_40 = tpu.matmul %convert_element_type3A_38, %convert_element_type3A_34, %dot_general3A_39 {dimension_numbers = #tpu.dot_dimension_numbers<[1], [0], [0], [1], [0, 0, 1, 1], [], []>, transpose_lhs_hint = false} : vector<40x128xbf16>, vector<128x128xbf16>, vector<40x128xf32> -> vector<40x128xf32>
    %add3A = vector.broadcast %mul3A_24 : vector<1x128xf32> to vector<40x128xf32>
    %add3A_41 = arith.addf %dot_general3A_40, %add3A : vector<40x128xf32>
    %get3A_42 = arith.constant 0 : index
    %get3A_43 = arith.constant 0 : index
    %get3A_44 = vector.load %arg6[%get3A_42, %get3A_43] : memref<40x128xf32, #tpu.memory_space<vmem>>, vector<40x128xf32>
    %convert_element_type3A_45 = arith.truncf %get3A_44 : vector<40x128xf32> to vector<40x128xbf16>
    %dot_general3A_46 = arith.constant dense<0.000000e+00> : vector<40x128xf32>
    %dot_general3A_47 = tpu.matmul %convert_element_type3A_45, %convert_element_type3A_34, %dot_general3A_46 {dimension_numbers = #tpu.dot_dimension_numbers<[1], [0], [0], [1], [0, 0, 1, 1], [], []>, transpose_lhs_hint = false} : vector<40x128xbf16>, vector<128x128xbf16>, vector<40x128xf32> -> vector<40x128xf32>
    %add3A_48 = vector.broadcast %mul3A_24 : vector<1x128xf32> to vector<40x128xf32>
    %add3A_49 = arith.addf %dot_general3A_47, %add3A_48 : vector<40x128xf32>
    %get3A_50 = arith.constant 0 : index
    %get3A_51 = arith.constant 0 : index
    %get3A_52 = vector.load %arg12[%get3A_50, %get3A_51] : memref<4000x40xbf16, #tpu.memory_space<vmem>>, vector<4000x40xbf16>
    %convert_element_type3A_53 = arith.truncf %add3A_41 : vector<40x128xf32> to vector<40x128xbf16>
    %dot_general3A_54 = arith.constant dense<0.000000e+00> : vector<4000x128xf32>
    %dot_general3A_55 = tpu.matmul %get3A_52, %convert_element_type3A_53, %dot_general3A_54 {dimension_numbers = #tpu.dot_dimension_numbers<[1], [0], [0], [1], [0, 0, 1, 1], [], []>, transpose_lhs_hint = false} : vector<4000x40xbf16>, vector<40x128xbf16>, vector<4000x128xf32> -> vector<4000x128xf32>
    %convert_element_type3A_56 = arith.truncf %add3A_49 : vector<40x128xf32> to vector<40x128xbf16>
    %dot_general3A_57 = arith.constant dense<0.000000e+00> : vector<4000x128xf32>
    %dot_general3A_58 = tpu.matmul %get3A_52, %convert_element_type3A_56, %dot_general3A_57 {dimension_numbers = #tpu.dot_dimension_numbers<[1], [0], [0], [1], [0, 0, 1, 1], [], []>, transpose_lhs_hint = false} : vector<4000x40xbf16>, vector<40x128xbf16>, vector<4000x128xf32> -> vector<4000x128xf32>
    %get3A_59 = arith.constant 0 : index
    %get3A_60 = arith.constant 0 : index
    %get3A_61 = vector.load %arg10[%get3A_59, %get3A_60] : memref<128x1xf32, #tpu.memory_space<vmem>>, vector<128x1xf32>
    %mul3A_62 = arith.constant 0.72134751 : f32
    %mul3A_63 = vector.broadcast %mul3A_62 : f32 to vector<128x1xf32>
    %mul3A_64 = arith.mulf %get3A_61, %mul3A_63 : vector<128x1xf32>
    %iota3A = tpu.iota {dimensions = array<i32: 1>} : vector<1x80xi32>
    %lt3A = arith.constant 40 : i32
    %lt3A_65 = vector.broadcast %lt3A : i32 to vector<1x80xi32>
    %lt3A_66 = arith.cmpi slt, %iota3A, %lt3A_65 : vector<1x80xi32>
    %convert_element_type3A_67 = arith.extui %lt3A_66 : vector<1x80xi1> to vector<1x80xi32>
    %convert_element_type3A_68 = arith.sitofp %convert_element_type3A_67 : vector<1x80xi32> to vector<1x80xf32>
    %sub3A = arith.constant 1.000000e+00 : f32
    %sub3A_69 = vector.broadcast %sub3A : f32 to vector<1x80xf32>
    %sub3A_70 = arith.subf %sub3A_69, %convert_element_type3A_68 : vector<1x80xf32>
    %dot_general3A_71 = arith.constant dense<0.000000e+00> : vector<128x80xf32>
    %dot_general3A_72 = tpu.matmul %mul3A_64, %convert_element_type3A_68, %dot_general3A_71 {dimension_numbers = #tpu.dot_dimension_numbers<[1], [0], [0], [1], [0, 0, 1, 1], [], []>, transpose_lhs_hint = false} : vector<128x1xf32>, vector<1x80xf32>, vector<128x80xf32> -> vector<128x80xf32>
    %dot_general3A_73 = arith.constant dense<0.000000e+00> : vector<128x80xf32>
    %dot_general3A_74 = tpu.matmul %mul3A_64, %sub3A_70, %dot_general3A_73 {dimension_numbers = #tpu.dot_dimension_numbers<[1], [0], [0], [1], [0, 0, 1, 1], [], []>, transpose_lhs_hint = false} : vector<128x1xf32>, vector<1x80xf32>, vector<128x80xf32> -> vector<128x80xf32>
    %concatenate3A_75 = tpu.concatenate %dot_general3A_72, %dot_general3A_74 in 0 : vector<128x80xf32>, vector<128x80xf32> -> vector<256x80xf32>
    %convert_element_type3A_76 = arith.truncf %concatenate3A_75 : vector<256x80xf32> to vector<256x80xbf16>
    %add3A_77 = arith.addf %dot_general3A_25, %dot_general3A_55 : vector<4000x128xf32>
    %tanh3A = math.tanh %add3A_77 : vector<4000x128xf32>
    %convert_element_type3A_78 = arith.truncf %tanh3A : vector<4000x128xf32> to vector<4000x128xbf16>
    %add3A_79 = arith.addf %dot_general3A_25, %dot_general3A_58 : vector<4000x128xf32>
    %tanh3A_80 = math.tanh %add3A_79 : vector<4000x128xf32>
    %convert_element_type3A_81 = arith.truncf %tanh3A_80 : vector<4000x128xf32> to vector<4000x128xbf16>
    %concatenate3A_82 = tpu.concatenate %convert_element_type3A_78, %convert_element_type3A_81 in 1 : vector<4000x128xbf16>, vector<4000x128xbf16> -> vector<4000x256xbf16>
    %dot_general3A_83 = arith.constant dense<0.000000e+00> : vector<4000x80xf32>
    %dot_general3A_84 = tpu.matmul %concatenate3A_82, %convert_element_type3A_76, %dot_general3A_83 {dimension_numbers = #tpu.dot_dimension_numbers<[1], [0], [0], [1], [0, 0, 1, 1], [], []>, transpose_lhs_hint = false} : vector<4000x256xbf16>, vector<256x80xbf16>, vector<4000x80xf32> -> vector<4000x80xf32>
    %add3A_85 = arith.addf %dot_general3A_27, %dot_general3A_55 : vector<4000x128xf32>
    %tanh3A_86 = math.tanh %add3A_85 : vector<4000x128xf32>
    %convert_element_type3A_87 = arith.truncf %tanh3A_86 : vector<4000x128xf32> to vector<4000x128xbf16>
    %add3A_88 = arith.addf %dot_general3A_27, %dot_general3A_58 : vector<4000x128xf32>
    %tanh3A_89 = math.tanh %add3A_88 : vector<4000x128xf32>
    %convert_element_type3A_90 = arith.truncf %tanh3A_89 : vector<4000x128xf32> to vector<4000x128xbf16>
    %concatenate3A_91 = tpu.concatenate %convert_element_type3A_87, %convert_element_type3A_90 in 1 : vector<4000x128xbf16>, vector<4000x128xbf16> -> vector<4000x256xbf16>
    %dot_general3A_92 = arith.constant dense<0.000000e+00> : vector<4000x80xf32>
    %dot_general3A_93 = tpu.matmul %concatenate3A_91, %convert_element_type3A_76, %dot_general3A_92 {dimension_numbers = #tpu.dot_dimension_numbers<[1], [0], [0], [1], [0, 0, 1, 1], [], []>, transpose_lhs_hint = false} : vector<4000x256xbf16>, vector<256x80xbf16>, vector<4000x80xf32> -> vector<4000x80xf32>
    %get3A_94 = arith.constant 0 : index
    %get3A_95 = arith.constant 0 : index
    %get3A_96 = vector.load %arg11[%get3A_94, %get3A_95] : memref<4000x80xf32, #tpu.memory_space<vmem>>, vector<4000x80xf32>
    %add3A_97 = arith.addf %dot_general3A_84, %get3A_96 : vector<4000x80xf32>
    %exp23A = math.exp2 %add3A_97 : vector<4000x80xf32>
    %convert_element_type3A_98 = arith.truncf %exp23A : vector<4000x80xf32> to vector<4000x80xbf16>
    %add3A_99 = arith.addf %dot_general3A_93, %get3A_96 : vector<4000x80xf32>
    %exp23A_100 = math.exp2 %add3A_99 : vector<4000x80xf32>
    %convert_element_type3A_101 = arith.truncf %exp23A_100 : vector<4000x80xf32> to vector<4000x80xbf16>
    %dot_general3A_102 = arith.constant dense<0.000000e+00> : vector<80x128xf32>
    %dot_general3A_103 = tpu.matmul %convert_element_type3A_98, %convert_element_type3A, %dot_general3A_102 {dimension_numbers = #tpu.dot_dimension_numbers<[0], [0], [1], [1], [0, 1, 1, 1], [], []>, transpose_lhs_hint = false} : vector<4000x80xbf16>, vector<4000x128xbf16>, vector<80x128xf32> -> vector<80x128xf32>
    %dot_general3A_104 = arith.constant dense<0.000000e+00> : vector<80x128xf32>
    %dot_general3A_105 = tpu.matmul %convert_element_type3A_101, %convert_element_type3A_12, %dot_general3A_104 {dimension_numbers = #tpu.dot_dimension_numbers<[0], [0], [1], [1], [0, 1, 1, 1], [], []>, transpose_lhs_hint = false} : vector<4000x80xbf16>, vector<4000x128xbf16>, vector<80x128xf32> -> vector<80x128xf32>
    %add3A_106 = arith.addf %dot_general3A_103, %dot_general3A_105 : vector<80x128xf32>
    %broadcast_in_dim3A = arith.constant 1.000000e+00 : bf16
    %broadcast_in_dim3A_107 = vector.broadcast %broadcast_in_dim3A : bf16 to vector<4000x1xbf16>
    %dot_general3A_108 = arith.constant dense<0.000000e+00> : vector<80x1xf32>
    %dot_general3A_109 = tpu.matmul %convert_element_type3A_98, %broadcast_in_dim3A_107, %dot_general3A_108 {dimension_numbers = #tpu.dot_dimension_numbers<[0], [0], [1], [1], [0, 1, 1, 1], [], []>, transpose_lhs_hint = false} : vector<4000x80xbf16>, vector<4000x1xbf16>, vector<80x1xf32> -> vector<80x1xf32>
    %dot_general3A_110 = arith.constant dense<0.000000e+00> : vector<80x1xf32>
    %dot_general3A_111 = tpu.matmul %convert_element_type3A_101, %broadcast_in_dim3A_107, %dot_general3A_110 {dimension_numbers = #tpu.dot_dimension_numbers<[0], [0], [1], [1], [0, 1, 1, 1], [], []>, transpose_lhs_hint = false} : vector<4000x80xbf16>, vector<4000x1xbf16>, vector<80x1xf32> -> vector<80x1xf32>
    %add3A_112 = arith.addf %dot_general3A_109, %dot_general3A_111 : vector<80x1xf32>
    %slice3A = vector.extract_strided_slice %add3A_106 {offsets = [0, 0], sizes = [40, 128], strides = [1, 1]} : vector<80x128xf32> to vector<40x128xf32>
    %slice3A_113 = vector.extract_strided_slice %add3A_112 {offsets = [0, 0], sizes = [40, 1], strides = [1, 1]} : vector<80x1xf32> to vector<40x1xf32>
    %div3A = vector.broadcast %slice3A_113 : vector<40x1xf32> to vector<40x128xf32>
    %div3A_114 = arith.divf %slice3A, %div3A : vector<40x128xf32>
    %swap3A = arith.constant 0 : index
    %swap3A_115 = arith.constant 0 : index
    %swap3A_116 = arith.constant 0 : index
    %swap3A_117 = vector.load %arg13[%swap3A, %swap3A_115, %swap3A_116] : memref<1x40x128xf32, #tpu.memory_space<vmem>>, vector<1x40x128xf32>
    %swap3A_118 = vector.shape_cast %swap3A_117 : vector<1x40x128xf32> to vector<40x128xf32>
    %swap3A_119 = vector.shape_cast %div3A_114 : vector<40x128xf32> to vector<1x40x128xf32>
    tpu.vector_store %arg13[%swap3A, %swap3A_115, %swap3A_116], %swap3A_119 {strides = array<i32>} : memref<1x40x128xf32, #tpu.memory_space<vmem>>, vector<1x40x128xf32>,
    %slice3A_120 = vector.extract_strided_slice %add3A_106 {offsets = [40, 0], sizes = [40, 128], strides = [1, 1]} : vector<80x128xf32> to vector<40x128xf32>
    %slice3A_121 = vector.extract_strided_slice %add3A_112 {offsets = [40, 0], sizes = [40, 1], strides = [1, 1]} : vector<80x1xf32> to vector<40x1xf32>
    %div3A_122 = vector.broadcast %slice3A_121 : vector<40x1xf32> to vector<40x128xf32>
    %div3A_123 = arith.divf %slice3A_120, %div3A_122 : vector<40x128xf32>
    %swap3A_124 = arith.constant 0 : index
    %swap3A_125 = arith.constant 0 : index
    %swap3A_126 = arith.constant 0 : index
    %swap3A_127 = vector.load %arg14[%swap3A_124, %swap3A_125, %swap3A_126] : memref<1x40x128xf32, #tpu.memory_space<vmem>>, vector<1x40x128xf32>
    %swap3A_128 = vector.shape_cast %swap3A_127 : vector<1x40x128xf32> to vector<40x128xf32>
    %swap3A_129 = vector.shape_cast %div3A_123 : vector<40x128xf32> to vector<1x40x128xf32>
    tpu.vector_store %arg14[%swap3A_124, %swap3A_125, %swap3A_126], %swap3A_129 {strides = array<i32>} : memref<1x40x128xf32, #tpu.memory_space<vmem>>, vector<1x40x128xf32>,
    return
  }
  func.func @transform_0(%arg0: i32) -> (i32, i32) {
    %mul3A = arith.constant 2 : i32
    %mul3A_0 = arith.muli %mul3A, %arg0 : i32
    %c0_i32 = arith.constant 0 : i32
    %c0_i32_1 = arith.constant 0 : i32
    return %mul3A_0, %c0_i32 : i32, i32
  }
  func.func @transform_1(%arg0: i32) -> (i32, i32) {
    %mul3A = arith.constant 2 : i32
    %mul3A_0 = arith.muli %mul3A, %arg0 : i32
    %add3A = arith.constant 1 : i32
    %add3A_1 = arith.addi %mul3A_0, %add3A : i32
    %c0_i32 = arith.constant 0 : i32
    %c0_i32_2 = arith.constant 0 : i32
    return %add3A_1, %c0_i32 : i32, i32
  }
  func.func @transform_2(%arg0: i32) -> (i32, i32) {
    %mul3A = arith.constant 2 : i32
    %mul3A_0 = arith.muli %mul3A, %arg0 : i32
    %c0_i32 = arith.constant 0 : i32
    %c0_i32_1 = arith.constant 0 : i32
    return %mul3A_0, %c0_i32 : i32, i32
  }
  func.func @transform_3(%arg0: i32) -> (i32, i32) {
    %mul3A = arith.constant 2 : i32
    %mul3A_0 = arith.muli %mul3A, %arg0 : i32
    %add3A = arith.constant 1 : i32
    %add3A_1 = arith.addi %mul3A_0, %add3A : i32
    %c0_i32 = arith.constant 0 : i32
    %c0_i32_2 = arith.constant 0 : i32
    return %add3A_1, %c0_i32 : i32, i32
  }
  func.func @transform_4(%arg0: i32) -> (i32, i32) {
    %c0_i32 = arith.constant 0 : i32
    %c0_i32_0 = arith.constant 0 : i32
    return %arg0, %c0_i32 : i32, i32
  }
  func.func @transform_5(%arg0: i32) -> (i32, i32) {
    %c0_i32 = arith.constant 0 : i32
    %c0_i32_0 = arith.constant 0 : i32
    return %arg0, %c0_i32 : i32, i32
  }
  func.func @transform_6(%arg0: i32) -> (i32, i32) {
    %c0_i32 = arith.constant 0 : i32
    %c0_i32_0 = arith.constant 0 : i32
    %c0_i32_1 = arith.constant 0 : i32
    return %c0_i32, %c0_i32_0 : i32, i32
  }
  func.func @transform_7(%arg0: i32) -> (i32, i32) {
    %c0_i32 = arith.constant 0 : i32
    %c0_i32_0 = arith.constant 0 : i32
    %c0_i32_1 = arith.constant 0 : i32
    return %c0_i32, %c0_i32_0 : i32, i32
  }
  func.func @transform_8(%arg0: i32) -> (i32, i32) {
    %c0_i32 = arith.constant 0 : i32
    %c0_i32_0 = arith.constant 0 : i32
    %c0_i32_1 = arith.constant 0 : i32
    return %c0_i32, %c0_i32_0 : i32, i32
  }
  func.func @transform_9(%arg0: i32) -> (i32, i32) {
    %c0_i32 = arith.constant 0 : i32
    %c0_i32_0 = arith.constant 0 : i32
    %c0_i32_1 = arith.constant 0 : i32
    return %c0_i32, %c0_i32_0 : i32, i32
  }
  func.func @transform_10(%arg0: i32) -> (i32, i32) {
    %c0_i32 = arith.constant 0 : i32
    %c0_i32_0 = arith.constant 0 : i32
    %c0_i32_1 = arith.constant 0 : i32
    return %c0_i32, %c0_i32_0 : i32, i32
  }
  func.func @transform_11(%arg0: i32) -> (i32, i32) {
    %c0_i32 = arith.constant 0 : i32
    %c0_i32_0 = arith.constant 0 : i32
    %c0_i32_1 = arith.constant 0 : i32
    return %c0_i32, %c0_i32_0 : i32, i32
  }
  func.func @transform_12(%arg0: i32) -> (i32, i32, i32) {
    %c0_i32 = arith.constant 0 : i32
    %c0_i32_0 = arith.constant 0 : i32
    %c0_i32_1 = arith.constant 0 : i32
    return %arg0, %c0_i32, %c0_i32_0 : i32, i32, i32
  }
  func.func @transform_13(%arg0: i32) -> (i32, i32, i32) {
    %c0_i32 = arith.constant 0 : i32
    %c0_i32_0 = arith.constant 0 : i32
    %c0_i32_1 = arith.constant 0 : i32
    return %arg0, %c0_i32, %c0_i32_0 : i32, i32, i32
  }
}

</mosaic_0001>

<sc_bundles>
// kernel: kernel.4.cloned.1.call-start
scs
__scs_entry_jumppad:
0x0: {  	(pc) =	sbr.rel $0x88, $3  }
0x1: {  	(tag) =	ssettag $0x0;
	lr =	simm.s32 $0x1  }
0x2: {  	[smem:$0x3F9A] =	sst lr;
	_ =	strace $0xD0000000  }
0x3: {  	_ = 	snop  }
0x4: {  	_ = 	snop  }
0x5: {  	_ = 	snop  }
0x6: {  	_ = 	snop  }
0x7: {  	_ = 	snop  }
__scs_overlays_trampoline_lowered:
0x8: {  	[smem:$0x3FA9] =	sst s0  }
0x9: {  	[smem:$0x3FAA] =	sst s1  }
0xa: {  	[smem:$0x3FAB] =	sst s2  }
0xb: {  	[smem:$0x3FAC] =	sst s3  }
0xc: {  	[smem:$0x3FAD] =	sst s4  }
0xd: {  	[smem:$0x3FAE] =	sst s5  }
0xe: {  	[smem:$0x3FAF] =	sst s6  }
0xf: {  	[smem:$0x3FB0] =	sst s7  }
0x10: {  	[smem:$0x3FB1] =	sst s8  }
0x11: {  	[smem:$0x3FB2] =	sst s9;
	s0 =	simm.s32 @!p0 $0x0  }
0x12: {  	s1 =	sld [smem:$0x3F98];
	s0 =	simm.s32 @p0 $0x1  }
0x13: {  	[smem:$0x3FB3] =	sst s0;
	s0 =	simm.s32 @!p1 $0x0  }
0x14: {  	s2 =	sld [smem:$0x3F97];
	s0 =	simm.s32 @p1 $0x1  }
0x15: {  	[smem:$0x3FB4] =	sst s0;
	s0 =	simm.s32 @!p2 $0x0  }
0x16: {  	s3 =	sld [smem:$0x3FDB];
	s0 =	simm.s32 @p2 $0x1  }
0x17: {  	s4 =	simm.s32 $0x1BF5;
	[smem:$0x3FB6] =	sst s0  }
0x18: {  	s0 =	sld [smem:$0x3F99];
	_ =	swait.ge [sflag:s4], $0x0  }
0x19: {  	s7 =	sld [smem:$0x3F9A]  }
0x1a: {  	s8 =	sadd.s32 $0xFFFFE003, lr  }
0x1b: {  	s9 =	sadd.s32 $0xFFFFFEF7, lr;
	s5 =	simm.s32 $0xFFFFFFFF;
	p2 =	slt.u32 s8, $0xFFFFF086  }
0x1c: {  	p1 =	slt.u32 s9, $0xF7A;
	s5 =	simm.s32 @!p2 $0x0  }
0x1d: {  	s5 =	simm.s32 @p1 $0x1;
	p0 =	seq.s32 s7, s2  }
0x1e: {  	s7 =	smul.u32 @!p0 $0xF7A, s2;
	p2 =	seq.s32 @!p0 s5, $0x0  }
0x1f: {  	s9 =	smul.u32 $0xF7A, s1;
	s8 =	simm.s32 @!p0 $0x1BF5;
	p2 =	por !p2, p0  }
0x20: {  	[sflag:s8] =	ssyncset.s32 @!p0 $0xFFFFF086;
	s6 =	sadd.s32 @!p0 s3, s7;
	s7 =	simm.s32 @!p0 $0x108  }
0x21: {  	s3 =	sadd.s32 s3, s9;
	s6 =	sadd.s32 @!p0 $0x88, s6;
	s7 =	simm.s32 @p2 $0x1082  }
0x22: {  	[simem:s7], [sflag:s8] =	dma.local @!p0 [hbm:s6], $0xF7A  }
0x23: {  	s9 =	sor.u32 $0xD0000000, s2;
	s6 =	simm.s32 $0x108;
	_ =	swait.ge @!p0 [sflag:s8], $0x0  }
0x24: {  	s3 =	sadd.s32 $0x88, s3;
	s6 =	simm.s32 @!p1 $0x1082;
	[sflag:s4] =	ssyncset.s32 $0xFFFFF086  }
0x25: {  	[simem:s6], [sflag:s4] =	dma.local [hbm:s3], $0xF7A  }
0x26: {  	[smem:$0x3F9A] =	sst s1;
	(tag) =	ssettag s2;
	_ =	strace s9  }
0x27: {  	s1 =	sld [smem:$0x3FAA]  }
0x28: {  	s2 =	sld [smem:$0x3FAB]  }
0x29: {  	s4 =	sld [smem:$0x3FAD]  }
0x2a: {  	p0 =	seq.s32 s5, $0x0;
	s5 =	sld [smem:$0x3FAE]  }
0x2b: {  	s6 =	sld [smem:$0x3FAF]  }
0x2c: {  	s7 =	sld [smem:$0x3FB0]  }
0x2d: {  	s3 =	simm.s32 $0x108;
	s8 =	sld [smem:$0x3FB1]  }
0x2e: {  	s3 =	simm.s32 @!p0 $0x1082;
	s9 =	sld [smem:$0x3FB2]  }
0x2f: {  	lr =	sadd.s32 s0, s3;
	s0 =	sld [smem:$0x3FA9]  }
0x30: {  	s3 =	sld [smem:$0x3FAC]  }
0x31: {  	[smem:$0x3FB5] =	sst s10  }
0x32: {  	s10 =	sld [smem:$0x3FB3];
	_ =	sdelay $0x3  }
0x33: {  	p0 =	seq.s32 s10, $0x1;
	s10 =	sld [smem:$0x3FB5];
	_ =	sdelay $0x3  }
0x34: {  	[smem:$0x3FB5] =	sst s10  }
0x35: {  	s10 =	sld [smem:$0x3FB4];
	_ =	sdelay $0x3  }
0x36: {  	p1 =	seq.s32 s10, $0x1;
	s10 =	sld [smem:$0x3FB5];
	_ =	sdelay $0x3  }
0x37: {  	[smem:$0x3FB5] =	sst s10  }
0x38: {  	s10 =	sld [smem:$0x3FB6]  }
0x39: {  	_ = 	snop;
	(pc) =	sbr.ind lr, $3  }
0x3a: {  	_ = 	snop  }
0x3b: {  	_ = 	snop  }
0x3c: {  	p2 =	seq.s32 s10, $0x1;
	s10 =	sld [smem:$0x3FB5]  }
0x3d: {  	_ =	shalt  }
0x3e: {  	_ =	shalt  }
0x3f: {  	_ =	shalt  }
0x40: {  	_ =	shalt  }
0x41: {  	_ =	shalt  }
0x42: {  	_ =	shalt  }
0x43: {  	_ =	shalt  }
0x44: {  	_ =	shalt  }
0x45: {  	_ =	shalt  }
0x46: {  	_ =	shalt  }
0x47: {  	_ =	shalt  }
0x48: {  	_ =	shalt  }
0x49: {  	_ =	shalt  }
0x4a: {  	_ =	shalt  }
0x4b: {  	_ =	shalt  }
0x4c: {  	_ =	shalt  }
0x4d: {  	_ =	shalt  }
0x4e: {  	_ =	shalt  }
0x4f: {  	_ =	shalt  }
0x50: {  	_ =	shalt  }
0x51: {  	_ =	shalt  }
0x52: {  	_ =	shalt  }
0x53: {  	_ =	shalt  }
0x54: {  	_ =	shalt  }
0x55: {  	_ =	shalt  }
0x56: {  	_ =	shalt  }
0x57: {  	_ =	shalt  }
0x58: {  	_ =	shalt  }
0x59: {  	_ =	shalt  }
0x5a: {  	_ =	shalt  }
0x5b: {  	_ =	shalt  }
0x5c: {  	_ =	shalt  }
0x5d: {  	_ =	shalt  }
0x5e: {  	_ =	shalt  }
0x5f: {  	_ =	shalt  }
0x60: {  	_ =	shalt  }
0x61: {  	_ =	shalt  }
0x62: {  	_ =	shalt  }
0x63: {  	_ =	shalt  }
0x64: {  	_ =	shalt  }
0x65: {  	_ =	shalt  }
0x66: {  	_ =	shalt  }
0x67: {  	_ =	shalt  }
0x68: {  	_ =	shalt  }
0x69: {  	_ =	shalt  }
0x6a: {  	_ =	shalt  }
0x6b: {  	_ =	shalt  }
0x6c: {  	_ =	shalt  }
0x6d: {  	_ =	shalt  }
0x6e: {  	_ =	shalt  }
0x6f: {  	_ =	shalt  }
0x70: {  	_ =	shalt  }
0x71: {  	_ =	shalt  }
0x72: {  	_ =	shalt  }
0x73: {  	_ =	shalt  }
0x74: {  	_ =	shalt  }
0x75: {  	_ =	shalt  }
0x76: {  	_ =	shalt  }
0x77: {  	_ =	shalt  }
0x78: {  	_ =	shalt  }
0x79: {  	_ =	shalt  }
0x7a: {  	_ =	shalt  }
0x7b: {  	_ =	shalt  }
0x7c: {  	_ =	shalt  }
0x7d: {  	_ =	shalt  }
0x7e: {  	_ =	shalt  }
0x7f: {  	_ =	shalt  }
0x80: {  	_ =	shalt  }
0x81: {  	_ =	shalt  }
0x82: {  	_ =	shalt  }
0x83: {  	_ =	shalt  }
0x84: {  	_ =	shalt  }
0x85: {  	_ =	shalt  }
0x86: {  	_ =	shalt  }
0x87: {  	_ =	shalt  }
.Lfunc_end0:
.L_simem_size_0:
called_computation_lowered:
.L_overlay_start_0:
0x88: {  	s2 =	sld [smem:$0x3FD9]  }
0x89: {  	s3 =	sld [smem:$0x3FFE];
	_ =	sdelay $0x1  }
0x8a: {  	s1 =	srdreg.scid  }
0x8b: {  	s0 =	sand.u32 $0x1, s1  }
0x8c: {  	s14 =	sshll.u32 s0, $0xA;
	s2 =	sadd.s32 s3, s2  }
0x8d: {  	s2 =	sadd.s32 s2, s14  }
0x8e: {  	[smem:$0x3FC1] =	sst s2  }
0x8f: {  	_ = 	snop  }
0x90: {  	s2 =	sld [smem:$0x3FD0];
	_ =	sdelay $0x1  }
0x91: {  	s15 =	sld [smem:$0x3FC9]  }
0x92: {  	s5 =	simm.s32 $0xA;
	s6 =	simm.s32 $0x10;
	s4 =	sld [smem:$0x3FC8]  }
0x93: {  	[smem:s6], [sflag:s5] =	dma.local [hbm:s2], $0x1  }
0x94: {  	_ =	swait.eq [sflag:s5], $0x1  }
0x95: {  	[sflag:s5] =	ssyncset.done $0x0  }
0x96: {  	[sflag:s5] =	ssyncadd.s32 $0xFFFFFFFF  }
0x97: {  	s16 =	sld [smem:$0x11];
	(tm) =	ssettm $0x1  }
0x98: {  	s17 =	sld [smem:$0x3FFB];
	_ =	sdelay $0x3  }
0x99: {  	_ =	strace s17  }
0x9a: {  	s5 =	sld [smem:$0x3FFC];
	_ =	sdelay $0x3  }
0x9b: {  	_ =	strace s5  }
0x9c: {  	s5 =	sld [smem:$0x3FFD];
	_ =	sdelay $0x3  }
0x9d: {  	_ =	strace s5  }
0x9e: {  	_ =	strace $0x8FFFFFFF  }
0x9f: {  	s18 =	sld [smem:$0x3FDB];
	_ =	sdelay $0x1  }
0xa0: {  	s19 =	simm.s32 $_scs_section_size  }
0xa1: {  	s7 =	simm.s32 $_size__tile_overlayer_lowered;
	s8 =	simm.s32 $_tile_overlayer_lowered  }
0xa2: {  	s22 =	simm.s32 $0x1BFF;
	s21 =	sshll.u32 s8, $0x1;
	s5 =	sadd.s32 s19, s18  }
0xa3: {  	s9 =	simm.s32 $0x0;
	s20 =	sshll.u32 s7, $0x1;
	s7 =	sadd.s32 s21, s5  }
0xa4: {  	[timem:s9], [sflag:s22] =	dma.local [hbm:s7], s20  }
0xa5: {  	_ =	swait.ge [sflag:s22], s20  }
0xa6: {  	s6 =	ssub.s32 $0x0, s20;
	[sflag:s22] =	ssyncset.done $0x0  }
0xa7: {  	[sflag:s22] =	ssyncadd.s32 s6;
	_ =	sdelay $0x1  }
0xa8: {  	s23 =	simm.s32 $0x1B8B  }
0xa9: {  	_ =	swait.ge [sflag:s23], $0x1  }
0xaa: {  	[sflag:s23] =	ssyncset.done $0x0  }
0xab: {  	s25 =	simm.s32 $0x1B8E;
	s24 =	sld [smem:$0x3FFE];
	[sflag:s23] =	ssyncadd.s32 $0xFFFFFFFF  }
0xac: {  	s26 =	simm.s32 $execute0_lowered;
	[smem:$0x3FD2] =	sst s25  }
0xad: {  	s7 =	sshll.u32 s26, $0x1;
	_ =	strace $0x80000046;
	[dreg:$0x1] =	wrdreg $0xFFFFFFFF  }
0xae: {  	s28 =	simm.s32 $_size_execute0_lowered;
	s5 =	sadd.s32 s5, s7;
	[dreg:$0x0] =	wrdreg $0x0  }
0xaf: {  	s7 =	sshll.u32 s28, $0x1;
	[dreg:$0x2] =	wrdreg s5  }
0xb0: {  	[dreg:$0x3] =	wrdreg s7  }
0xb1: {  	[dreg:$0x4] =	wrdreg $0xC0  }
0xb2: {  	_ =	task [dreg:s9], $0x5FFFF  }
0xb3: {  	[dreg:$0x1] =	wrdreg $0xFFFFFFFF  }
0xb4: {  	[dreg:$0x0] =	wrdreg $0x60  }
0xb5: {  	[dreg:$0x2] =	wrdreg s15  }
0xb6: {  	[dreg:$0x3] =	wrdreg s4  }
0xb7: {  	[dreg:$0x4] =	wrdreg s16  }
0xb8: {  	[dreg:$0x5] =	wrdreg s24  }
0xb9: {  	[dreg:$0x6] =	wrdreg $0x9  }
0xba: {  	_ =	task.clear_ibuf [dreg:s9], $0x7FFFF;
	_ =	strace $0x90000046  }
0xbb: {  	s29 =	simm.s32 $0x9;
	_ =	strace $0x80000048  }
0xbc: {  	_ =	swait.ge [sflag:s29], $0x1  }
0xbd: {  	[sflag:s29] =	ssyncadd.s32 $0xFFFFFFFF  }
0xbe: {  	_ =	strace $0x90000048  }
0xbf: {  	_ =	sfence  }
0xc0: {  	s30 =	sld [smem:$0x0];
	_ =	sdelay $0x2  }
0xc1: {  	s31 =	sshll.u32 s1, $0xD;
	s1 =	sshrl.u32 s1, $0x2  }
0xc2: {  	s3 =	sand.u32 $0x4000, s31;
	s1 =	sadd.s32 s1, s30  }
0xc3: {  	s0 =	sor.u32 s3, s0;
	s1 =	sshll.u32 s1, $0x11  }
0xc4: {  	s0 =	sor.u32 s1, s0  }
0xc5: {  	s0 =	sadd.s32 $0x8F2B, s0  }
0xc6: {  	[sflag:s0] =	ssyncadd.remote.s32 $0x1  }
0xc7: {  	_ =	sfence.sel $0xFFFF  }
0xc8: {  	[dreg:$0x0] =	wrdreg $0xFFFFFFFF;
	(pc) =	sbr.abs _section_cstart, $3  }
0xc9: {  	[dreg:$0x1] =	wrdreg $0xFFFFFFFF  }
0xca: {  	_ =	task.clear_ibuf [dreg:s9], $0x2FFFF;
	_ =	strace $0x9FFFFFFF  }
0xcb: {  	(tm) =	ssettm $0x7FFFFFFF  }
tec
execute0_lowered:
.L_overlay_start_1:
0x0: {  	(tag) =	ssettag $0x1  }
0x1: {  	s1 =	rddreg [dreg:$0x0]  }
0x2: {  	s2 =	rddreg [dreg:$0x1];
	s3 =	srdreg.scid  }
0x3: {  	s5 =	rddreg [dreg:$0x2];
	s0 =	stileid.u32;
	s12 =	sand.u32 $0x1, s3  }
0x4: {  	s13 =	rddreg [dreg:$0x3];
	s6 =	sshll.u32 s0, $0x6;
	s7 =	sshll.u32 s12, $0x5  }
0x5: {  	s4 =	simm.s32 $0x0;
	s3 =	rddreg [dreg:$0x4];
	s14 =	sor.u32 s7, s6  }
0x6: {  	[smem:$0x7FF] =	sst s4;
	s6 =	sshrl.u32 s14, $0x3  }
0x7: {  	_ =	strace $0x80000047;
	s6 =	sadd.s32 s5, s6;
	s5 =	simm.s32 $0x3  }
0x8: {  	[tilespmem:s4], [sflag:$0x3] =	stream.linear.gather [hbm4b:s6+s4], $0x20, $0x38;
	[tilespmem:$0x2080] =	vst v63  }
0x9: {  	_ =	swait.ge [sflag:s5], $0x20  }
0xa: {  	[sflag:s5] =	ssyncset.done $0x0  }
0xb: {  	s8 =	simm.s32 $0x80;
	s7 =	simm.s32 $0x20;
	[sflag:s5] =	ssyncadd.s32 $0xFFFFFFE0  }
0xc: {  	[tilespmem:s8], [sflag:$0x1] =	stream.indirect.gather [hbm4b:s1+s7], $0x80, s4, s7, $0xb8;
	[tilespmem:$0x2080] =	vst v63  }
0xd: {  	s9 =	simm.s32 $0x1080;
	s10 =	simm.s32 $0x1  }
0xe: {  	[tilespmem:s9], [sflag:$0x2] =	stream.indirect.gather [hbm4b:s2+s7], $0x80, s4, s7, $0xb8;
	[tilespmem:$0x2080] =	vst v63  }
0xf: {  	_ =	swait.ge [sflag:s10], $0x1000  }
0x10: {  	[sflag:s10] =	ssyncset.done $0x0  }
0x11: {  	s11 =	simm.s32 $0x2;
	s31 =	ssub.s32 $0x2, s12;
	[sflag:s10] =	ssyncadd.s32 $0xFFFFF000  }
0x12: {  	s15 =	sshrl.u32 s31, $0x1;
	s14 =	sshll.u32 s14, $0x4;
	_ =	swait.ge [sflag:s11], $0x1000  }
0x13: {  	s13 =	sadd.s32 s14, s13;
	s14 =	ssub.s32 s31, s15;
	[sflag:s11] =	ssyncset.done $0x0  }
0x14: {  	s12 =	sadd.s32 $0x1600, s13;
	s14 =	smax.u32 s14, $0x1;
	[sflag:s11] =	ssyncadd.s32 $0xFFFFF000  }
0x15: {  	[hbm4b:s12+s4] =	stream.linear.scatter [tilespmem:s8], [sflag:$0x3], $0x1000, $0x38;
	[tilespmem:$0x2080] =	vst v63  }
0x16: {  	p0 =	sne.s32 s14, $0x1;
	_ =	swait.ge [sflag:s5], $0x1000  }
.Ltmp0:
0x17: {  	[sflag:s5] =	ssyncset.done $0x0;
	(pc) =	sbr.rel @!p0 .LBB2_2-.Ltmp0, $4  }
0x18: {  	s13 =	sadd.s32 $0x5600, s13;
	[sflag:s5] =	ssyncadd.s32 $0xFFFFF000  }
0x19: {  	[hbm4b:s13+s4] =	stream.linear.scatter [tilespmem:s9], [sflag:$0x3], $0x1000, $0x38;
	[tilespmem:$0x2080] =	vst v63  }
0x1a: {  	_ =	swait.ge [sflag:s5], $0x1000  }
0x1b: {  	s14 =	sadd.s32 $0xFFFFFFFF, s14;
	[sflag:s5] =	ssyncset.done $0x0  }
.LBB2_1:
0x1c: {  	p0 =	sne.s32 s14, $0x1;
	s14 =	sadd.s32 $0xFFFFFFFF, s14;
	[sflag:s5] =	ssyncadd.s32 $0xFFFFF000  }
0x1d: {  	[tilespmem:s4], [sflag:$0x3] =	stream.linear.gather [hbm4b:s6+s4], $0x20, $0x38;
	[tilespmem:$0x2080] =	vst v63  }
0x1e: {  	_ =	swait.ge [sflag:s5], $0x20  }
0x1f: {  	[sflag:s5] =	ssyncset.done $0x0  }
0x20: {  	[sflag:s5] =	ssyncadd.s32 $0xFFFFFFE0  }
0x21: {  	[tilespmem:s8], [sflag:$0x1] =	stream.indirect.gather [hbm4b:s1+s7], $0x80, s4, s7, $0xb8;
	[tilespmem:$0x2080] =	vst v63  }
0x22: {  	_ = 	snop  }
0x23: {  	[tilespmem:s9], [sflag:$0x2] =	stream.indirect.gather [hbm4b:s2+s7], $0x80, s4, s7, $0xb8;
	[tilespmem:$0x2080] =	vst v63  }
0x24: {  	_ =	swait.ge [sflag:s10], $0x1000  }
0x25: {  	[sflag:s10] =	ssyncset.done $0x0  }
0x26: {  	[sflag:s10] =	ssyncadd.s32 $0xFFFFF000  }
0x27: {  	_ =	swait.ge [sflag:s11], $0x1000  }
0x28: {  	[sflag:s11] =	ssyncset.done $0x0  }
0x29: {  	[sflag:s11] =	ssyncadd.s32 $0xFFFFF000  }
0x2a: {  	[hbm4b:s12+s4] =	stream.linear.scatter [tilespmem:s8], [sflag:$0x3], $0x1000, $0x38;
	[tilespmem:$0x2080] =	vst v63  }
0x2b: {  	_ =	swait.ge [sflag:s5], $0x1000  }
.Ltmp1:
0x2c: {  	[sflag:s5] =	ssyncset.done $0x0;
	(pc) =	sbr.rel @p0 .LBB2_1-.Ltmp1, $4  }
0x2d: {  	[sflag:s5] =	ssyncadd.s32 $0xFFFFF000  }
0x2e: {  	[hbm4b:s13+s4] =	stream.linear.scatter [tilespmem:s9], [sflag:$0x3], $0x1000, $0x38;
	[tilespmem:$0x2080] =	vst v63  }
0x2f: {  	_ =	swait.ge [sflag:s5], $0x1000  }
0x30: {  	[sflag:s5] =	ssyncset.done $0x0  }
.LBB2_2:
0x31: {  	[sflag:s5] =	ssyncadd.s32 $0xFFFFF000  }
0x32: {  	_ =	sfence.sel $0x180000  }
0x33: {  	[bflag:$0x0] =	sbarrier.arrive $0xFFFF  }
0x34: {  	p0 =	sne.s32 s0, $0x0;
	_ =	strace $0x90000047  }
0x35: {  	s0 =	sadd.s32 @!p0 $0x100000, s3;
	[bflag:$0x2] =	sbarrier.arrive $0xFFFF  }
0x36: {  	[sflag:s0] =	ssyncadd.tile.s32 @!p0 $0x1;
	_ =	shalt  }
.Lfunc_end2:
_tile_overlayer_lowered:
.L_overlay_start_2:
0x37: {  	(tag) =	ssettag $0x2  }
0x38: {  	s0 =	rddreg [dreg:$0x0];
	s2 =	stileid.u32  }
0x39: {  	s1 =	rddreg [dreg:$0x1];
	p0 =	sne.s32 s2, $0x0  }
0x3a: {  	s3 =	rddreg [dreg:$0x2];
	[bflag:$0x3] =	sbarrier.arrive $0xFFFF;
	s2 =	simm.s32 @!p0 $0x1C03  }
0x3b: {  	[timem:s3], [sflag:s2] =	dma.local @!p0 [hbm:s0], s1  }
0x3c: {  	s0 =	simm.s32 @!p0 $0x3  }
0x3d: {  	_ =	swait.ge @!p0 [sflag:s0], s1  }
0x3e: {  	s1 =	ssub.s32 @!p0 $0x0, s1;
	[sflag:s0] =	ssyncset.done @!p0 $0x0  }
0x3f: {  	[sflag:s0] =	ssyncadd.s32 @!p0 s1  }
0x40: {  	[bflag:$0x3] =	sbarrier.arrive $0xFFFF  }
0x41: {  	_ =	shalt  }

</sc_bundles>
